<compile_context>
chip_gen: v7x
topology: tpu7x:2x2x1
jax: 0.10.2.dev20260603
libtpu: 0.0.44.dev20260713+nightly
codegen_flags: <defaults>
</compile_context>

<pallas_src>
import jax
import jax.numpy as jnp
from jax import lax
from jax.experimental import pallas as pl
from jax.experimental.pallas import tpu as pltpu
from jax.experimental.pallas import tpu_sc as plsc

N_NODE = 1000000
EMB_DIM = 64
BATCH = 16384
PADW = 2 * EMB_DIM

NC = 2
NS = 16
L = 16
NW = NC * NS
B_PER_W = BATCH // NW
CHUNK = 128
N_CHUNKS = B_PER_W // CHUNK
GPC = CHUNK // L


def _sc_body(nid_hbm, nbr_hbm, embp_hbm, bias_hbm,
             oa_hbm, ob_hbm, op_hbm,
             idx_a, idx_b, pair_a, pair_b, cols_a, cols_b,
             bias_v, acc_v, prob_v, sem):
    wid = lax.axis_index("s") * NC + lax.axis_index("c")
    base = wid * B_PER_W

    pltpu.sync_copy(nid_hbm.at[pl.ds(base, B_PER_W)], idx_a)
    pltpu.sync_copy(nbr_hbm.at[pl.ds(base, B_PER_W)], idx_b)

    bias_copies = []
    for j in range(N_CHUNKS):
        sl = pl.ds(j * CHUNK, CHUNK)
        bias_copies.append(
            pltpu.async_copy(bias_hbm.at[idx_b.at[sl]], bias_v.at[sl], sem))

    lane = lax.iota(jnp.int32, L)

    def chunk_body(j, _):
        sl = pl.ds(j * CHUNK, CHUNK)
        ca = pltpu.async_copy(embp_hbm.at[idx_a.at[sl]], pair_a, sem)
        cb = pltpu.async_copy(embp_hbm.at[idx_b.at[sl]], pair_b, sem)
        ca.wait()
        cb.wait()

        def grp(g, _):
            i0 = j * CHUNK + g * L
            rows = g * L + lane

            def dim_body(d, acc):
                col = jnp.full((L,), 0, jnp.int32) + d
                va = plsc.load_gather(pair_a, [rows, col])
                vb = plsc.load_gather(pair_b, [rows, col])
                cols_a[d, pl.ds(i0, L)] = va
                cols_b[d, pl.ds(i0, L)] = vb
                return acc + va * vb
            acc = lax.fori_loop(0, EMB_DIM, dim_body,
                                jnp.zeros((L,), jnp.float32))
            acc_v[pl.ds(i0, L)] = acc
            return 0
        lax.fori_loop(0, GPC, grp, 0)
        return 0

    lax.fori_loop(0, N_CHUNKS, chunk_body, 0)

    for c in bias_copies:
        c.wait()

    def prob_grp(g, _):
        sl = pl.ds(g * L, L)
        score = acc_v[sl] + bias_v[sl]
        p = 1.0 / (1.0 + jnp.exp(-score))
        prob_v[sl] = jnp.minimum(jnp.maximum(p, 1e-5), 1.0)
        return 0
    lax.fori_loop(0, B_PER_W // L, prob_grp, 0)

    dst = pl.ds(base, B_PER_W)
    pltpu.sync_copy(cols_a, oa_hbm.at[:, dst])
    pltpu.sync_copy(cols_b, ob_hbm.at[:, dst])
    pltpu.sync_copy(prob_v, op_hbm.at[dst])


def _build():
    mesh = plsc.VectorSubcoreMesh(core_axis_name="c", subcore_axis_name="s")
    return pl.kernel(
        _sc_body,
        out_type=(
            jax.ShapeDtypeStruct((EMB_DIM, BATCH), jnp.float32),
            jax.ShapeDtypeStruct((EMB_DIM, BATCH), jnp.float32),
            jax.ShapeDtypeStruct((BATCH,), jnp.float32),
        ),
        mesh=mesh,
        scratch_types=[
            pltpu.VMEM((B_PER_W,), jnp.int32),
            pltpu.VMEM((B_PER_W,), jnp.int32),
            pltpu.VMEM((CHUNK, PADW), jnp.float32),
            pltpu.VMEM((CHUNK, PADW), jnp.float32),
            pltpu.VMEM((EMB_DIM, B_PER_W), jnp.float32),
            pltpu.VMEM((EMB_DIM, B_PER_W), jnp.float32),
            pltpu.VMEM((B_PER_W,), jnp.float32),
            pltpu.VMEM((B_PER_W,), jnp.float32),
            pltpu.VMEM((B_PER_W,), jnp.float32),
            pltpu.SemaphoreType.DMA,
        ],
        compiler_params=pltpu.CompilerParams(
            needs_layout_passes=False, use_tc_tiling_on_sc=True),
    )


def kernel(node_id, node_neighbor_id, embedding_matrix, bias_vector):
    k = _build()
    embp = jnp.pad(embedding_matrix, ((0, 0), (0, PADW - EMB_DIM)))
    oa_t, ob_t, prob = k(node_id, node_neighbor_id, embp, bias_vector)
    return oa_t.T, ob_t.T, prob

# --- scband reference (transcript-rebuilt; emitter-appended) ---
"""Pipeline reference for scband-generator-27212912787797 (READ-ONLY COPY).

The authoritative reference and input builder live on the scoring server;
editing this copy changes nothing except your own understanding.
"""

import jax, jax.numpy as jnp
import numpy as np

N_NODE = 1000000
EMB_DIM = 64
BATCH = 16384

def setup_inputs(seed: int = 0) -> dict:
    key = jax.random.key(seed)
    k1, k2, k3, k4 = jax.random.split(key, 4)
    node_id = jax.random.randint(k1, (BATCH,), 0, N_NODE, dtype=jnp.int32)
    node_neighbor_id = jax.random.randint(k2, (BATCH,), 0, N_NODE, dtype=jnp.int32)
    # learned parameters, sized per init_kwargs (node_emd_init shape [N_NODE, EMB_DIM])
    embedding_matrix = jax.random.normal(k3, (N_NODE, EMB_DIM), dtype=jnp.float32) * 0.1
    bias_vector = jnp.zeros((N_NODE,), dtype=jnp.float32)
    return {
        "node_id": node_id,
        "node_neighbor_id": node_neighbor_id,
        "embedding_matrix": embedding_matrix,
        "bias_vector": bias_vector,
    }

def reference(node_id, node_neighbor_id, embedding_matrix, bias_vector):
    # gather rows (SparseCore-friendly embedding lookup)
    node_embedding = jnp.take(embedding_matrix, node_id, axis=0)
    node_neighbor_embedding = jnp.take(embedding_matrix, node_neighbor_id, axis=0)
    bias = jnp.take(bias_vector, node_neighbor_id, axis=0)
    score = jnp.sum(node_embedding * node_neighbor_embedding, axis=1) + bias
    prob = jax.nn.sigmoid(score)
    prob = jnp.clip(prob, 1e-05, 1.0)
    return (node_embedding, node_neighbor_embedding, prob)

if __name__ == "__main__":
    import jax
    _d = setup_inputs()
    print(jax.jit(kernel)(*tuple(_d.values())))

</pallas_src>

<mosaic_0001>
#map = affine_map<(d0, d1) -> (0)>
#map1 = affine_map<(d0, d1) -> (0, 0)>
module attributes {stable_mosaic.version = 14 : i64} {
  func.func @_sc_body(%arg0: i32, %arg1: i32, %arg2: memref<16384xi32, #tpu.memory_space<hbm>>, %arg3: memref<16384xi32, #tpu.memory_space<hbm>>, %arg4: memref<1000000x128xf32, #tpu.memory_space<hbm>>, %arg5: memref<1000000xf32, #tpu.memory_space<hbm>>, %arg6: memref<64x16384xf32, #tpu.memory_space<hbm>>, %arg7: memref<64x16384xf32, #tpu.memory_space<hbm>>, %arg8: memref<16384xf32, #tpu.memory_space<hbm>>, %arg9: memref<512xi32, #tpu.memory_space<vmem>>, %arg10: memref<512xi32, #tpu.memory_space<vmem>>, %arg11: memref<128x128xf32, #tpu.memory_space<vmem>>, %arg12: memref<128x128xf32, #tpu.memory_space<vmem>>, %arg13: memref<64x512xf32, #tpu.memory_space<vmem>>, %arg14: memref<64x512xf32, #tpu.memory_space<vmem>>, %arg15: memref<512xf32, #tpu.memory_space<vmem>>, %arg16: memref<512xf32, #tpu.memory_space<vmem>>, %arg17: memref<512xf32, #tpu.memory_space<vmem>>, %arg18: memref<!tpu.dma_semaphore, #tpu.memory_space<semaphore_mem>>) attributes {dimension_semantics = [#tpu.dimension_semantics<core_parallel>, #tpu.dimension_semantics<subcore_parallel>], iteration_bounds = array<i64: 2, 16>, scalar_prefetch = 0 : i64, scratch_operands = 10 : i64, tpu.core_type = #tpu.core_type<sc_vector_subcore>, window_params = [{transform_indices = #map}, {transform_indices = #map}, {transform_indices = #map1}, {transform_indices = #map}, {transform_indices = #map1}, {transform_indices = #map1}, {transform_indices = #map}]} {
    %mul3A = arith.constant 2 : i32
    %mul3A_0 = arith.muli %arg1, %mul3A : i32
    %add3A = arith.addi %mul3A_0, %arg0 : i32
    %mul3A_1 = arith.constant 512 : i32
    %mul3A_2 = arith.muli %add3A, %mul3A_1 : i32
    "tpu.region"() ({
      %run_scoped3A = tpu.sem_alloc : memref<!tpu.dma_semaphore, #tpu.memory_space<semaphore_mem>>
      %dma_start3A_62 = tpu.memref_slice %arg2[%mul3A_2] : memref<16384xi32, #tpu.memory_space<hbm>> -> memref<512xi32, #tpu.memory_space<hbm>>
      %dma_start3A_63 = tpu.memref_slice %arg2[%mul3A_2] : memref<16384xi32, #tpu.memory_space<hbm>> -> memref<512xi32, #tpu.memory_space<hbm>>
      tpu.enqueue_dma source(%dma_start3A_63 : memref<512xi32, #tpu.memory_space<hbm>>) target(%arg9 : memref<512xi32, #tpu.memory_space<vmem>>) target_semaphore(%run_scoped3A : memref<!tpu.dma_semaphore, #tpu.memory_space<semaphore_mem>>)
      %dma_wait3A_64 = tpu.memref_slice %arg2[%mul3A_2] : memref<16384xi32, #tpu.memory_space<hbm>> -> memref<512xi32, #tpu.memory_space<hbm>>
      %dma_wait3A_65 = tpu.memref_slice %arg2[%mul3A_2] : memref<16384xi32, #tpu.memory_space<hbm>> -> memref<512xi32, #tpu.memory_space<hbm>>
      tpu.wait_dma2 semaphore(%run_scoped3A : memref<!tpu.dma_semaphore, #tpu.memory_space<semaphore_mem>>) src(%dma_wait3A_65 : memref<512xi32, #tpu.memory_space<hbm>>) dst(%arg9 : memref<512xi32, #tpu.memory_space<vmem>>)
      tpu.yield
    }) : () -> ()
    "tpu.region"() ({
      %run_scoped3A = tpu.sem_alloc : memref<!tpu.dma_semaphore, #tpu.memory_space<semaphore_mem>>
      %dma_start3A_62 = tpu.memref_slice %arg3[%mul3A_2] : memref<16384xi32, #tpu.memory_space<hbm>> -> memref<512xi32, #tpu.memory_space<hbm>>
      %dma_start3A_63 = tpu.memref_slice %arg3[%mul3A_2] : memref<16384xi32, #tpu.memory_space<hbm>> -> memref<512xi32, #tpu.memory_space<hbm>>
      tpu.enqueue_dma source(%dma_start3A_63 : memref<512xi32, #tpu.memory_space<hbm>>) target(%arg10 : memref<512xi32, #tpu.memory_space<vmem>>) target_semaphore(%run_scoped3A : memref<!tpu.dma_semaphore, #tpu.memory_space<semaphore_mem>>)
      %dma_wait3A_64 = tpu.memref_slice %arg3[%mul3A_2] : memref<16384xi32, #tpu.memory_space<hbm>> -> memref<512xi32, #tpu.memory_space<hbm>>
      %dma_wait3A_65 = tpu.memref_slice %arg3[%mul3A_2] : memref<16384xi32, #tpu.memory_space<hbm>> -> memref<512xi32, #tpu.memory_space<hbm>>
      tpu.wait_dma2 semaphore(%run_scoped3A : memref<!tpu.dma_semaphore, #tpu.memory_space<semaphore_mem>>) src(%dma_wait3A_65 : memref<512xi32, #tpu.memory_space<hbm>>) dst(%arg10 : memref<512xi32, #tpu.memory_space<vmem>>)
      tpu.yield
    }) : () -> ()
    %dma_start3A = arith.constant 0 : i32
    %dma_start3A_3 = tpu.memref_slice %arg15[%dma_start3A] : memref<512xf32, #tpu.memory_space<vmem>> -> memref<128xf32, #tpu.memory_space<vmem>>
    %dma_start3A_4 = arith.constant 0 : i32
    %dma_start3A_5 = tpu.memref_slice %arg10[%dma_start3A_4] : memref<512xi32, #tpu.memory_space<vmem>> -> memref<128xi32, #tpu.memory_space<vmem>>
    %dma_start3A_6 = arith.constant 0 : i32
    %dma_start3A_7 = tpu.memref_slice %arg5[%dma_start3A_6] : memref<1000000xf32, #tpu.memory_space<hbm>> -> memref<1000000xf32, #tpu.memory_space<hbm>>
    tpu.enqueue_indirect_dma source(%dma_start3A_7 : memref<1000000xf32, #tpu.memory_space<hbm>>) target(%dma_start3A_3 : memref<128xf32, #tpu.memory_space<vmem>>) offsets(%dma_start3A_5 : memref<128xi32, #tpu.memory_space<vmem>>) semaphore(%arg18 : memref<!tpu.dma_semaphore, #tpu.memory_space<semaphore_mem>>)
    %dma_start3A_8 = arith.constant 128 : i32
    %dma_start3A_9 = tpu.memref_slice %arg15[%dma_start3A_8] : memref<512xf32, #tpu.memory_space<vmem>> -> memref<128xf32, #tpu.memory_space<vmem>>
    %dma_start3A_10 = arith.constant 128 : i32
    %dma_start3A_11 = tpu.memref_slice %arg10[%dma_start3A_10] : memref<512xi32, #tpu.memory_space<vmem>> -> memref<128xi32, #tpu.memory_space<vmem>>
    %dma_start3A_12 = arith.constant 0 : i32
    %dma_start3A_13 = tpu.memref_slice %arg5[%dma_start3A_12] : memref<1000000xf32, #tpu.memory_space<hbm>> -> memref<1000000xf32, #tpu.memory_space<hbm>>
    tpu.enqueue_indirect_dma source(%dma_start3A_13 : memref<1000000xf32, #tpu.memory_space<hbm>>) target(%dma_start3A_9 : memref<128xf32, #tpu.memory_space<vmem>>) offsets(%dma_start3A_11 : memref<128xi32, #tpu.memory_space<vmem>>) semaphore(%arg18 : memref<!tpu.dma_semaphore, #tpu.memory_space<semaphore_mem>>)
    %dma_start3A_14 = arith.constant 256 : i32
    %dma_start3A_15 = tpu.memref_slice %arg15[%dma_start3A_14] : memref<512xf32, #tpu.memory_space<vmem>> -> memref<128xf32, #tpu.memory_space<vmem>>
    %dma_start3A_16 = arith.constant 256 : i32
    %dma_start3A_17 = tpu.memref_slice %arg10[%dma_start3A_16] : memref<512xi32, #tpu.memory_space<vmem>> -> memref<128xi32, #tpu.memory_space<vmem>>
    %dma_start3A_18 = arith.constant 0 : i32
    %dma_start3A_19 = tpu.memref_slice %arg5[%dma_start3A_18] : memref<1000000xf32, #tpu.memory_space<hbm>> -> memref<1000000xf32, #tpu.memory_space<hbm>>
    tpu.enqueue_indirect_dma source(%dma_start3A_19 : memref<1000000xf32, #tpu.memory_space<hbm>>) target(%dma_start3A_15 : memref<128xf32, #tpu.memory_space<vmem>>) offsets(%dma_start3A_17 : memref<128xi32, #tpu.memory_space<vmem>>) semaphore(%arg18 : memref<!tpu.dma_semaphore, #tpu.memory_space<semaphore_mem>>)
    %dma_start3A_20 = arith.constant 384 : i32
    %dma_start3A_21 = tpu.memref_slice %arg15[%dma_start3A_20] : memref<512xf32, #tpu.memory_space<vmem>> -> memref<128xf32, #tpu.memory_space<vmem>>
    %dma_start3A_22 = arith.constant 384 : i32
    %dma_start3A_23 = tpu.memref_slice %arg10[%dma_start3A_22] : memref<512xi32, #tpu.memory_space<vmem>> -> memref<128xi32, #tpu.memory_space<vmem>>
    %dma_start3A_24 = arith.constant 0 : i32
    %dma_start3A_25 = tpu.memref_slice %arg5[%dma_start3A_24] : memref<1000000xf32, #tpu.memory_space<hbm>> -> memref<1000000xf32, #tpu.memory_space<hbm>>
    tpu.enqueue_indirect_dma source(%dma_start3A_25 : memref<1000000xf32, #tpu.memory_space<hbm>>) target(%dma_start3A_21 : memref<128xf32, #tpu.memory_space<vmem>>) offsets(%dma_start3A_23 : memref<128xi32, #tpu.memory_space<vmem>>) semaphore(%arg18 : memref<!tpu.dma_semaphore, #tpu.memory_space<semaphore_mem>>)
    %iota3A = tpu.iota {dimensions = array<i32: 0>} : vector<16xi32>
    %scan3A = arith.constant 0 : i32
    %scan3A_26 = arith.constant 0 : i32
    %scan3A_27 = arith.constant 4 : i32
    %scan3A_28 = arith.addi %scan3A_26, %scan3A_27 : i32
    %scan3A_29 = arith.constant 1 : i32
    %scan3A_30 = scf.for %scan3A_62 = %scan3A_26 to %scan3A_28 step %scan3A_29 iter_args(%scan3A_63 = %scan3A) -> (i32)  : i32 {
      %mul3A_64 = arith.constant 128 : i32
      %mul3A_65 = arith.muli %scan3A_62, %mul3A_64 : i32
      %dma_start3A_66 = tpu.memref_slice %arg9[%mul3A_65] : memref<512xi32, #tpu.memory_space<vmem>> -> memref<128xi32, #tpu.memory_space<vmem>>
      %dma_start3A_67 = arith.constant 0 : i32
      %dma_start3A_68 = arith.constant 0 : i32
      %dma_start3A_69 = tpu.memref_slice %arg4[%dma_start3A_67, %dma_start3A_68] : memref<1000000x128xf32, #tpu.memory_space<hbm>> -> memref<1000000x128xf32, #tpu.memory_space<hbm>>
      tpu.enqueue_indirect_dma source(%dma_start3A_69 : memref<1000000x128xf32, #tpu.memory_space<hbm>>) target(%arg11 : memref<128x128xf32, #tpu.memory_space<vmem>>) offsets(%dma_start3A_66 : memref<128xi32, #tpu.memory_space<vmem>>) semaphore(%arg18 : memref<!tpu.dma_semaphore, #tpu.memory_space<semaphore_mem>>)
      %dma_start3A_70 = tpu.memref_slice %arg10[%mul3A_65] : memref<512xi32, #tpu.memory_space<vmem>> -> memref<128xi32, #tpu.memory_space<vmem>>
      %dma_start3A_71 = arith.constant 0 : i32
      %dma_start3A_72 = arith.constant 0 : i32
      %dma_start3A_73 = tpu.memref_slice %arg4[%dma_start3A_71, %dma_start3A_72] : memref<1000000x128xf32, #tpu.memory_space<hbm>> -> memref<1000000x128xf32, #tpu.memory_space<hbm>>
      tpu.enqueue_indirect_dma source(%dma_start3A_73 : memref<1000000x128xf32, #tpu.memory_space<hbm>>) target(%arg12 : memref<128x128xf32, #tpu.memory_space<vmem>>) offsets(%dma_start3A_70 : memref<128xi32, #tpu.memory_space<vmem>>) semaphore(%arg18 : memref<!tpu.dma_semaphore, #tpu.memory_space<semaphore_mem>>)
      %dma_wait3A_74 = tpu.memref_slice %arg9[%mul3A_65] : memref<512xi32, #tpu.memory_space<vmem>> -> memref<128xi32, #tpu.memory_space<vmem>>
      %dma_wait3A_75 = arith.constant 0 : i32
      %dma_wait3A_76 = arith.constant 0 : i32
      %dma_wait3A_77 = tpu.memref_slice %arg4[%dma_wait3A_75, %dma_wait3A_76] : memref<1000000x128xf32, #tpu.memory_space<hbm>> -> memref<1000000x128xf32, #tpu.memory_space<hbm>>
      tpu.wait_indirect_dma semaphore(%arg18 : memref<!tpu.dma_semaphore, #tpu.memory_space<semaphore_mem>>) src(%dma_wait3A_77 : memref<1000000x128xf32, #tpu.memory_space<hbm>>) dst(%arg11 : memref<128x128xf32, #tpu.memory_space<vmem>>)
      %dma_wait3A_78 = tpu.memref_slice %arg10[%mul3A_65] : memref<512xi32, #tpu.memory_space<vmem>> -> memref<128xi32, #tpu.memory_space<vmem>>
      %dma_wait3A_79 = arith.constant 0 : i32
      %dma_wait3A_80 = arith.constant 0 : i32
      %dma_wait3A_81 = tpu.memref_slice %arg4[%dma_wait3A_79, %dma_wait3A_80] : memref<1000000x128xf32, #tpu.memory_space<hbm>> -> memref<1000000x128xf32, #tpu.memory_space<hbm>>
      tpu.wait_indirect_dma semaphore(%arg18 : memref<!tpu.dma_semaphore, #tpu.memory_space<semaphore_mem>>) src(%dma_wait3A_81 : memref<1000000x128xf32, #tpu.memory_space<hbm>>) dst(%arg12 : memref<128x128xf32, #tpu.memory_space<vmem>>)
      %scan3A_82 = arith.constant 0 : i32
      %scan3A_83 = arith.constant 0 : i32
      %scan3A_84 = arith.constant 8 : i32
      %scan3A_85 = arith.addi %scan3A_83, %scan3A_84 : i32
      %scan3A_86 = arith.constant 1 : i32
      %scan3A_87 = scf.for %scan3A_90 = %scan3A_83 to %scan3A_85 step %scan3A_86 iter_args(%scan3A_91 = %scan3A_82) -> (i32)  : i32 {
        %mul3A_92 = arith.constant 128 : i32
        %mul3A_93 = arith.muli %scan3A_62, %mul3A_92 : i32
        %mul3A_94 = arith.constant 16 : i32
        %mul3A_95 = arith.muli %scan3A_90, %mul3A_94 : i32
        %add3A_96 = arith.addi %mul3A_93, %mul3A_95 : i32
        %mul3A_97 = arith.constant 16 : i32
        %mul3A_98 = arith.muli %scan3A_90, %mul3A_97 : i32
        %add3A_99 = vector.broadcast %mul3A_98 : i32 to vector<16xi32>
        %add3A_100 = arith.addi %add3A_99, %iota3A : vector<16xi32>
        %broadcast_in_dim3A = arith.constant 0.000000e+00 : f32
        %broadcast_in_dim3A_101 = vector.broadcast %broadcast_in_dim3A : f32 to vector<16xf32>
        %scan3A_102 = arith.constant 0 : i32
        %scan3A_103 = arith.constant 64 : i32
        %scan3A_104 = arith.addi %scan3A_102, %scan3A_103 : i32
        %scan3A_105 = arith.constant 1 : i32
        %scan3A_106 = scf.for %scan3A_110 = %scan3A_102 to %scan3A_104 step %scan3A_105 iter_args(%scan3A_111 = %broadcast_in_dim3A_101) -> (vector<16xf32>)  : i32 {
          %broadcast_in_dim3A_112 = arith.constant 0 : i32
          %broadcast_in_dim3A_113 = vector.broadcast %broadcast_in_dim3A_112 : i32 to vector<16xi32>
          %add3A_114 = vector.broadcast %scan3A_110 : i32 to vector<16xi32>
          %add3A_115 = arith.addi %broadcast_in_dim3A_113, %add3A_114 : vector<16xi32>
          %gather3A = tpu.vector_load_idx %arg11[%add3A_100, %add3A_115] : memref<128x128xf32, #tpu.memory_space<vmem>>[vector<16xi32>, vector<16xi32>], vector<16xf32>,
          %gather3A_116 = tpu.vector_load_idx %arg12[%add3A_100, %add3A_115] : memref<128x128xf32, #tpu.memory_space<vmem>>[vector<16xi32>, vector<16xi32>], vector<16xf32>,
          %swap3A_117 = arith.index_cast %scan3A_110 : i32 to index
          %swap3A_118 = arith.index_cast %add3A_96 : i32 to index
          %swap3A_119 = tpu.vector_load %arg13[%swap3A_117, %swap3A_118] {strides = array<i32>} : memref<64x512xf32, #tpu.memory_space<vmem>>, vector<16xf32>,
          tpu.vector_store %arg13[%swap3A_117, %swap3A_118], %gather3A {strides = array<i32>} : memref<64x512xf32, #tpu.memory_space<vmem>>, vector<16xf32>,
          %swap3A_120 = arith.index_cast %scan3A_110 : i32 to index
          %swap3A_121 = arith.index_cast %add3A_96 : i32 to index
          %swap3A_122 = tpu.vector_load %arg14[%swap3A_120, %swap3A_121] {strides = array<i32>} : memref<64x512xf32, #tpu.memory_space<vmem>>, vector<16xf32>,
          tpu.vector_store %arg14[%swap3A_120, %swap3A_121], %gather3A_116 {strides = array<i32>} : memref<64x512xf32, #tpu.memory_space<vmem>>, vector<16xf32>,
          %mul3A_123 = arith.mulf %gather3A, %gather3A_116 : vector<16xf32>
          %add3A_124 = arith.addf %scan3A_111, %mul3A_123 : vector<16xf32>
          scf.yield %add3A_124 : vector<16xf32>
        }
        %scan3A_107 = arith.constant 64 : i32
        %swap3A = arith.index_cast %add3A_96 : i32 to index
        %swap3A_108 = tpu.vector_load %arg16[%swap3A] {strides = array<i32>} : memref<512xf32, #tpu.memory_space<vmem>>, vector<16xf32>,
        tpu.vector_store %arg16[%swap3A], %scan3A_106 {strides = array<i32>} : memref<512xf32, #tpu.memory_space<vmem>>, vector<16xf32>,
        %scan3A_109 = arith.constant 0 : i32
        scf.yield %scan3A_109 : i32
      }
      %scan3A_88 = arith.constant 8 : i32
      %scan3A_89 = arith.constant 0 : i32
      scf.yield %scan3A_89 : i32
    }
    %scan3A_31 = arith.constant 4 : i32
    %dma_wait3A = arith.constant 0 : i32
    %dma_wait3A_32 = tpu.memref_slice %arg15[%dma_wait3A] : memref<512xf32, #tpu.memory_space<vmem>> -> memref<128xf32, #tpu.memory_space<vmem>>
    %dma_wait3A_33 = arith.constant 0 : i32
    %dma_wait3A_34 = tpu.memref_slice %arg10[%dma_wait3A_33] : memref<512xi32, #tpu.memory_space<vmem>> -> memref<128xi32, #tpu.memory_space<vmem>>
    %dma_wait3A_35 = arith.constant 0 : i32
    %dma_wait3A_36 = tpu.memref_slice %arg5[%dma_wait3A_35] : memref<1000000xf32, #tpu.memory_space<hbm>> -> memref<1000000xf32, #tpu.memory_space<hbm>>
    tpu.wait_indirect_dma semaphore(%arg18 : memref<!tpu.dma_semaphore, #tpu.memory_space<semaphore_mem>>) src(%dma_wait3A_36 : memref<1000000xf32, #tpu.memory_space<hbm>>) dst(%dma_wait3A_32 : memref<128xf32, #tpu.memory_space<vmem>>)
    %dma_wait3A_37 = arith.constant 128 : i32
    %dma_wait3A_38 = tpu.memref_slice %arg15[%dma_wait3A_37] : memref<512xf32, #tpu.memory_space<vmem>> -> memref<128xf32, #tpu.memory_space<vmem>>
    %dma_wait3A_39 = arith.constant 128 : i32
    %dma_wait3A_40 = tpu.memref_slice %arg10[%dma_wait3A_39] : memref<512xi32, #tpu.memory_space<vmem>> -> memref<128xi32, #tpu.memory_space<vmem>>
    %dma_wait3A_41 = arith.constant 0 : i32
    %dma_wait3A_42 = tpu.memref_slice %arg5[%dma_wait3A_41] : memref<1000000xf32, #tpu.memory_space<hbm>> -> memref<1000000xf32, #tpu.memory_space<hbm>>
    tpu.wait_indirect_dma semaphore(%arg18 : memref<!tpu.dma_semaphore, #tpu.memory_space<semaphore_mem>>) src(%dma_wait3A_42 : memref<1000000xf32, #tpu.memory_space<hbm>>) dst(%dma_wait3A_38 : memref<128xf32, #tpu.memory_space<vmem>>)
    %dma_wait3A_43 = arith.constant 256 : i32
    %dma_wait3A_44 = tpu.memref_slice %arg15[%dma_wait3A_43] : memref<512xf32, #tpu.memory_space<vmem>> -> memref<128xf32, #tpu.memory_space<vmem>>
    %dma_wait3A_45 = arith.constant 256 : i32
    %dma_wait3A_46 = tpu.memref_slice %arg10[%dma_wait3A_45] : memref<512xi32, #tpu.memory_space<vmem>> -> memref<128xi32, #tpu.memory_space<vmem>>
    %dma_wait3A_47 = arith.constant 0 : i32
    %dma_wait3A_48 = tpu.memref_slice %arg5[%dma_wait3A_47] : memref<1000000xf32, #tpu.memory_space<hbm>> -> memref<1000000xf32, #tpu.memory_space<hbm>>
    tpu.wait_indirect_dma semaphore(%arg18 : memref<!tpu.dma_semaphore, #tpu.memory_space<semaphore_mem>>) src(%dma_wait3A_48 : memref<1000000xf32, #tpu.memory_space<hbm>>) dst(%dma_wait3A_44 : memref<128xf32, #tpu.memory_space<vmem>>)
    %dma_wait3A_49 = arith.constant 384 : i32
    %dma_wait3A_50 = tpu.memref_slice %arg15[%dma_wait3A_49] : memref<512xf32, #tpu.memory_space<vmem>> -> memref<128xf32, #tpu.memory_space<vmem>>
    %dma_wait3A_51 = arith.constant 384 : i32
    %dma_wait3A_52 = tpu.memref_slice %arg10[%dma_wait3A_51] : memref<512xi32, #tpu.memory_space<vmem>> -> memref<128xi32, #tpu.memory_space<vmem>>
    %dma_wait3A_53 = arith.constant 0 : i32
    %dma_wait3A_54 = tpu.memref_slice %arg5[%dma_wait3A_53] : memref<1000000xf32, #tpu.memory_space<hbm>> -> memref<1000000xf32, #tpu.memory_space<hbm>>
    tpu.wait_indirect_dma semaphore(%arg18 : memref<!tpu.dma_semaphore, #tpu.memory_space<semaphore_mem>>) src(%dma_wait3A_54 : memref<1000000xf32, #tpu.memory_space<hbm>>) dst(%dma_wait3A_50 : memref<128xf32, #tpu.memory_space<vmem>>)
    %scan3A_55 = arith.constant 0 : i32
    %scan3A_56 = arith.constant 0 : i32
    %scan3A_57 = arith.constant 32 : i32
    %scan3A_58 = arith.addi %scan3A_56, %scan3A_57 : i32
    %scan3A_59 = arith.constant 1 : i32
    %scan3A_60 = scf.for %scan3A_62 = %scan3A_56 to %scan3A_58 step %scan3A_59 iter_args(%scan3A_63 = %scan3A_55) -> (i32)  : i32 {
      %mul3A_64 = arith.constant 16 : i32
      %mul3A_65 = arith.muli %scan3A_62, %mul3A_64 : i32
      %get3A = arith.index_cast %mul3A_65 : i32 to index
      %get3A_66 = tpu.vector_load %arg16[%get3A] {strides = array<i32>} : memref<512xf32, #tpu.memory_space<vmem>>, vector<16xf32>,
      %get3A_67 = arith.index_cast %mul3A_65 : i32 to index
      %get3A_68 = tpu.vector_load %arg15[%get3A_67] {strides = array<i32>} : memref<512xf32, #tpu.memory_space<vmem>>, vector<16xf32>,
      %add3A_69 = arith.addf %get3A_66, %get3A_68 : vector<16xf32>
      %neg3A = arith.constant 0.000000e+00 : f32
      %neg3A_70 = vector.broadcast %neg3A : f32 to vector<16xf32>
      %neg3A_71 = arith.subf %neg3A_70, %add3A_69 : vector<16xf32>
      %exp3A = math.exp %neg3A_71 : vector<16xf32>
      %add3A_72 = arith.constant 1.000000e+00 : f32
      %add3A_73 = vector.broadcast %add3A_72 : f32 to vector<16xf32>
      %add3A_74 = arith.addf %add3A_73, %exp3A : vector<16xf32>
      %div3A = arith.constant 1.000000e+00 : f32
      %div3A_75 = vector.broadcast %div3A : f32 to vector<16xf32>
      %div3A_76 = arith.divf %div3A_75, %add3A_74 : vector<16xf32>
      %max3A = arith.constant 9.99999974E-6 : f32
      %max3A_77 = vector.broadcast %max3A : f32 to vector<16xf32>
      %max3A_78 = arith.maximumf %div3A_76, %max3A_77 : vector<16xf32>
      %min3A = arith.constant 1.000000e+00 : f32
      %min3A_79 = vector.broadcast %min3A : f32 to vector<16xf32>
      %min3A_80 = arith.minimumf %max3A_78, %min3A_79 : vector<16xf32>
      %swap3A = arith.index_cast %mul3A_65 : i32 to index
      %swap3A_81 = tpu.vector_load %arg17[%swap3A] {strides = array<i32>} : memref<512xf32, #tpu.memory_space<vmem>>, vector<16xf32>,
      tpu.vector_store %arg17[%swap3A], %min3A_80 {strides = array<i32>} : memref<512xf32, #tpu.memory_space<vmem>>, vector<16xf32>,
      %scan3A_82 = arith.constant 0 : i32
      scf.yield %scan3A_82 : i32
    }
    %scan3A_61 = arith.constant 32 : i32
    "tpu.region"() ({
      %run_scoped3A = tpu.sem_alloc : memref<!tpu.dma_semaphore, #tpu.memory_space<semaphore_mem>>
      %dma_start3A_62 = arith.constant 0 : i32
      %dma_start3A_63 = tpu.memref_slice %arg6[%dma_start3A_62, %mul3A_2] : memref<64x16384xf32, #tpu.memory_space<hbm>> -> memref<64x512xf32, #tpu.memory_space<hbm>>
      %dma_start3A_64 = arith.constant 0 : i32
      %dma_start3A_65 = tpu.memref_slice %arg6[%dma_start3A_64, %mul3A_2] : memref<64x16384xf32, #tpu.memory_space<hbm>> -> memref<64x512xf32, #tpu.memory_space<hbm>>
      tpu.enqueue_dma source(%arg13 : memref<64x512xf32, #tpu.memory_space<vmem>>) target(%dma_start3A_65 : memref<64x512xf32, #tpu.memory_space<hbm>>) target_semaphore(%run_scoped3A : memref<!tpu.dma_semaphore, #tpu.memory_space<semaphore_mem>>)
      %dma_wait3A_66 = arith.constant 0 : i32
      %dma_wait3A_67 = tpu.memref_slice %arg6[%dma_wait3A_66, %mul3A_2] : memref<64x16384xf32, #tpu.memory_space<hbm>> -> memref<64x512xf32, #tpu.memory_space<hbm>>
      %dma_wait3A_68 = arith.constant 0 : i32
      %dma_wait3A_69 = tpu.memref_slice %arg6[%dma_wait3A_68, %mul3A_2] : memref<64x16384xf32, #tpu.memory_space<hbm>> -> memref<64x512xf32, #tpu.memory_space<hbm>>
      tpu.wait_dma2 semaphore(%run_scoped3A : memref<!tpu.dma_semaphore, #tpu.memory_space<semaphore_mem>>) src(%arg13 : memref<64x512xf32, #tpu.memory_space<vmem>>) dst(%dma_wait3A_69 : memref<64x512xf32, #tpu.memory_space<hbm>>)
      tpu.yield
    }) : () -> ()
    "tpu.region"() ({
      %run_scoped3A = tpu.sem_alloc : memref<!tpu.dma_semaphore, #tpu.memory_space<semaphore_mem>>
      %dma_start3A_62 = arith.constant 0 : i32
      %dma_start3A_63 = tpu.memref_slice %arg7[%dma_start3A_62, %mul3A_2] : memref<64x16384xf32, #tpu.memory_space<hbm>> -> memref<64x512xf32, #tpu.memory_space<hbm>>
      %dma_start3A_64 = arith.constant 0 : i32
      %dma_start3A_65 = tpu.memref_slice %arg7[%dma_start3A_64, %mul3A_2] : memref<64x16384xf32, #tpu.memory_space<hbm>> -> memref<64x512xf32, #tpu.memory_space<hbm>>
      tpu.enqueue_dma source(%arg14 : memref<64x512xf32, #tpu.memory_space<vmem>>) target(%dma_start3A_65 : memref<64x512xf32, #tpu.memory_space<hbm>>) target_semaphore(%run_scoped3A : memref<!tpu.dma_semaphore, #tpu.memory_space<semaphore_mem>>)
      %dma_wait3A_66 = arith.constant 0 : i32
      %dma_wait3A_67 = tpu.memref_slice %arg7[%dma_wait3A_66, %mul3A_2] : memref<64x16384xf32, #tpu.memory_space<hbm>> -> memref<64x512xf32, #tpu.memory_space<hbm>>
      %dma_wait3A_68 = arith.constant 0 : i32
      %dma_wait3A_69 = tpu.memref_slice %arg7[%dma_wait3A_68, %mul3A_2] : memref<64x16384xf32, #tpu.memory_space<hbm>> -> memref<64x512xf32, #tpu.memory_space<hbm>>
      tpu.wait_dma2 semaphore(%run_scoped3A : memref<!tpu.dma_semaphore, #tpu.memory_space<semaphore_mem>>) src(%arg14 : memref<64x512xf32, #tpu.memory_space<vmem>>) dst(%dma_wait3A_69 : memref<64x512xf32, #tpu.memory_space<hbm>>)
      tpu.yield
    }) : () -> ()
    "tpu.region"() ({
      %run_scoped3A = tpu.sem_alloc : memref<!tpu.dma_semaphore, #tpu.memory_space<semaphore_mem>>
      %dma_start3A_62 = tpu.memref_slice %arg8[%mul3A_2] : memref<16384xf32, #tpu.memory_space<hbm>> -> memref<512xf32, #tpu.memory_space<hbm>>
      %dma_start3A_63 = tpu.memref_slice %arg8[%mul3A_2] : memref<16384xf32, #tpu.memory_space<hbm>> -> memref<512xf32, #tpu.memory_space<hbm>>
      tpu.enqueue_dma source(%arg17 : memref<512xf32, #tpu.memory_space<vmem>>) target(%dma_start3A_63 : memref<512xf32, #tpu.memory_space<hbm>>) target_semaphore(%run_scoped3A : memref<!tpu.dma_semaphore, #tpu.memory_space<semaphore_mem>>)
      %dma_wait3A_64 = tpu.memref_slice %arg8[%mul3A_2] : memref<16384xf32, #tpu.memory_space<hbm>> -> memref<512xf32, #tpu.memory_space<hbm>>
      %dma_wait3A_65 = tpu.memref_slice %arg8[%mul3A_2] : memref<16384xf32, #tpu.memory_space<hbm>> -> memref<512xf32, #tpu.memory_space<hbm>>
      tpu.wait_dma2 semaphore(%run_scoped3A : memref<!tpu.dma_semaphore, #tpu.memory_space<semaphore_mem>>) src(%arg17 : memref<512xf32, #tpu.memory_space<vmem>>) dst(%dma_wait3A_65 : memref<512xf32, #tpu.memory_space<hbm>>)
      tpu.yield
    }) : () -> ()
    return
  }
}

</mosaic_0001>

<sc_bundles>
// kernel: kernel.3.cloned.1.call-start
scs
__scs_entry_jumppad:
0x0: {  	(pc) =	sbr.rel $0x88, $3  }
0x1: {  	(tag) =	ssettag $0x0;
	lr =	simm.s32 $0x1  }
0x2: {  	[smem:$0x3F9D] =	sst lr;
	_ =	strace $0xD0000000  }
0x3: {  	_ = 	snop  }
0x4: {  	_ = 	snop  }
0x5: {  	_ = 	snop  }
0x6: {  	_ = 	snop  }
0x7: {  	_ = 	snop  }
__scs_overlays_trampoline_lowered:
0x8: {  	[smem:$0x3FAC] =	sst s0  }
0x9: {  	[smem:$0x3FAD] =	sst s1  }
0xa: {  	[smem:$0x3FAE] =	sst s2  }
0xb: {  	[smem:$0x3FAF] =	sst s3  }
0xc: {  	[smem:$0x3FB0] =	sst s4  }
0xd: {  	[smem:$0x3FB1] =	sst s5  }
0xe: {  	[smem:$0x3FB2] =	sst s6  }
0xf: {  	[smem:$0x3FB3] =	sst s7  }
0x10: {  	[smem:$0x3FB4] =	sst s8  }
0x11: {  	[smem:$0x3FB5] =	sst s9;
	s0 =	simm.s32 @!p0 $0x0  }
0x12: {  	s1 =	sld [smem:$0x3F9B];
	s0 =	simm.s32 @p0 $0x1  }
0x13: {  	[smem:$0x3FB6] =	sst s0;
	s0 =	simm.s32 @!p1 $0x0  }
0x14: {  	s2 =	sld [smem:$0x3F9A];
	s0 =	simm.s32 @p1 $0x1  }
0x15: {  	[smem:$0x3FB7] =	sst s0;
	s0 =	simm.s32 @!p2 $0x0  }
0x16: {  	s3 =	sld [smem:$0x3FDB];
	s0 =	simm.s32 @p2 $0x1  }
0x17: {  	s4 =	simm.s32 $0x1BF5;
	[smem:$0x3FB9] =	sst s0  }
0x18: {  	s0 =	sld [smem:$0x3F9C];
	_ =	swait.ge [sflag:s4], $0x0  }
0x19: {  	s7 =	sld [smem:$0x3F9D]  }
0x1a: {  	s8 =	sadd.s32 $0xFFFFE003, lr  }
0x1b: {  	s9 =	sadd.s32 $0xFFFFFEF7, lr;
	s5 =	simm.s32 $0xFFFFFFFF;
	p2 =	slt.u32 s8, $0xFFFFF086  }
0x1c: {  	p1 =	slt.u32 s9, $0xF7A;
	s5 =	simm.s32 @!p2 $0x0  }
0x1d: {  	s5 =	simm.s32 @p1 $0x1;
	p0 =	seq.s32 s7, s2  }
0x1e: {  	s7 =	smul.u32 @!p0 $0xF7A, s2;
	p2 =	seq.s32 @!p0 s5, $0x0  }
0x1f: {  	s9 =	smul.u32 $0xF7A, s1;
	s8 =	simm.s32 @!p0 $0x1BF5;
	p2 =	por !p2, p0  }
0x20: {  	[sflag:s8] =	ssyncset.s32 @!p0 $0xFFFFF086;
	s6 =	sadd.s32 @!p0 s3, s7;
	s7 =	simm.s32 @!p0 $0x108  }
0x21: {  	s3 =	sadd.s32 s3, s9;
	s6 =	sadd.s32 @!p0 $0x88, s6;
	s7 =	simm.s32 @p2 $0x1082  }
0x22: {  	[simem:s7], [sflag:s8] =	dma.local @!p0 [hbm:s6], $0xF7A  }
0x23: {  	s9 =	sor.u32 $0xD0000000, s2;
	s6 =	simm.s32 $0x108;
	_ =	swait.ge @!p0 [sflag:s8], $0x0  }
0x24: {  	s3 =	sadd.s32 $0x88, s3;
	s6 =	simm.s32 @!p1 $0x1082;
	[sflag:s4] =	ssyncset.s32 $0xFFFFF086  }
0x25: {  	[simem:s6], [sflag:s4] =	dma.local [hbm:s3], $0xF7A  }
0x26: {  	[smem:$0x3F9D] =	sst s1;
	(tag) =	ssettag s2;
	_ =	strace s9  }
0x27: {  	s1 =	sld [smem:$0x3FAD]  }
0x28: {  	s2 =	sld [smem:$0x3FAE]  }
0x29: {  	s4 =	sld [smem:$0x3FB0]  }
0x2a: {  	p0 =	seq.s32 s5, $0x0;
	s5 =	sld [smem:$0x3FB1]  }
0x2b: {  	s6 =	sld [smem:$0x3FB2]  }
0x2c: {  	s7 =	sld [smem:$0x3FB3]  }
0x2d: {  	s3 =	simm.s32 $0x108;
	s8 =	sld [smem:$0x3FB4]  }
0x2e: {  	s3 =	simm.s32 @!p0 $0x1082;
	s9 =	sld [smem:$0x3FB5]  }
0x2f: {  	lr =	sadd.s32 s0, s3;
	s0 =	sld [smem:$0x3FAC]  }
0x30: {  	s3 =	sld [smem:$0x3FAF]  }
0x31: {  	[smem:$0x3FB8] =	sst s10  }
0x32: {  	s10 =	sld [smem:$0x3FB6];
	_ =	sdelay $0x3  }
0x33: {  	p0 =	seq.s32 s10, $0x1;
	s10 =	sld [smem:$0x3FB8];
	_ =	sdelay $0x3  }
0x34: {  	[smem:$0x3FB8] =	sst s10  }
0x35: {  	s10 =	sld [smem:$0x3FB7];
	_ =	sdelay $0x3  }
0x36: {  	p1 =	seq.s32 s10, $0x1;
	s10 =	sld [smem:$0x3FB8];
	_ =	sdelay $0x3  }
0x37: {  	[smem:$0x3FB8] =	sst s10  }
0x38: {  	s10 =	sld [smem:$0x3FB9]  }
0x39: {  	_ = 	snop;
	(pc) =	sbr.ind lr, $3  }
0x3a: {  	_ = 	snop  }
0x3b: {  	_ = 	snop  }
0x3c: {  	p2 =	seq.s32 s10, $0x1;
	s10 =	sld [smem:$0x3FB8]  }
0x3d: {  	_ =	shalt  }
0x3e: {  	_ =	shalt  }
0x3f: {  	_ =	shalt  }
0x40: {  	_ =	shalt  }
0x41: {  	_ =	shalt  }
0x42: {  	_ =	shalt  }
0x43: {  	_ =	shalt  }
0x44: {  	_ =	shalt  }
0x45: {  	_ =	shalt  }
0x46: {  	_ =	shalt  }
0x47: {  	_ =	shalt  }
0x48: {  	_ =	shalt  }
0x49: {  	_ =	shalt  }
0x4a: {  	_ =	shalt  }
0x4b: {  	_ =	shalt  }
0x4c: {  	_ =	shalt  }
0x4d: {  	_ =	shalt  }
0x4e: {  	_ =	shalt  }
0x4f: {  	_ =	shalt  }
0x50: {  	_ =	shalt  }
0x51: {  	_ =	shalt  }
0x52: {  	_ =	shalt  }
0x53: {  	_ =	shalt  }
0x54: {  	_ =	shalt  }
0x55: {  	_ =	shalt  }
0x56: {  	_ =	shalt  }
0x57: {  	_ =	shalt  }
0x58: {  	_ =	shalt  }
0x59: {  	_ =	shalt  }
0x5a: {  	_ =	shalt  }
0x5b: {  	_ =	shalt  }
0x5c: {  	_ =	shalt  }
0x5d: {  	_ =	shalt  }
0x5e: {  	_ =	shalt  }
0x5f: {  	_ =	shalt  }
0x60: {  	_ =	shalt  }
0x61: {  	_ =	shalt  }
0x62: {  	_ =	shalt  }
0x63: {  	_ =	shalt  }
0x64: {  	_ =	shalt  }
0x65: {  	_ =	shalt  }
0x66: {  	_ =	shalt  }
0x67: {  	_ =	shalt  }
0x68: {  	_ =	shalt  }
0x69: {  	_ =	shalt  }
0x6a: {  	_ =	shalt  }
0x6b: {  	_ =	shalt  }
0x6c: {  	_ =	shalt  }
0x6d: {  	_ =	shalt  }
0x6e: {  	_ =	shalt  }
0x6f: {  	_ =	shalt  }
0x70: {  	_ =	shalt  }
0x71: {  	_ =	shalt  }
0x72: {  	_ =	shalt  }
0x73: {  	_ =	shalt  }
0x74: {  	_ =	shalt  }
0x75: {  	_ =	shalt  }
0x76: {  	_ =	shalt  }
0x77: {  	_ =	shalt  }
0x78: {  	_ =	shalt  }
0x79: {  	_ =	shalt  }
0x7a: {  	_ =	shalt  }
0x7b: {  	_ =	shalt  }
0x7c: {  	_ =	shalt  }
0x7d: {  	_ =	shalt  }
0x7e: {  	_ =	shalt  }
0x7f: {  	_ =	shalt  }
0x80: {  	_ =	shalt  }
0x81: {  	_ =	shalt  }
0x82: {  	_ =	shalt  }
0x83: {  	_ =	shalt  }
0x84: {  	_ =	shalt  }
0x85: {  	_ =	shalt  }
0x86: {  	_ =	shalt  }
0x87: {  	_ =	shalt  }
.Lfunc_end0:
.L_simem_size_0:
called_computation_lowered:
.L_overlay_start_0:
0x88: {  	s2 =	sld [smem:$0x3FD9]  }
0x89: {  	s3 =	sld [smem:$0x3FFE];
	_ =	sdelay $0x1  }
0x8a: {  	s1 =	srdreg.scid  }
0x8b: {  	s0 =	sand.u32 $0x1, s1  }
0x8c: {  	s14 =	sshll.u32 s0, $0xA;
	s2 =	sadd.s32 s3, s2  }
0x8d: {  	s2 =	sadd.s32 s2, s14  }
0x8e: {  	[smem:$0x3FC4] =	sst s2  }
0x8f: {  	_ = 	snop  }
0x90: {  	s2 =	sld [smem:$0x3FD0]  }
0x91: {  	s15 =	sld [smem:$0x3FC9]  }
0x92: {  	s4 =	sld [smem:$0x3FC8]  }
0x93: {  	s6 =	simm.s32 $0xA;
	s7 =	simm.s32 $0x10;
	s5 =	sld [smem:$0x3FC6]  }
0x94: {  	[smem:s7], [sflag:s6] =	dma.local [hbm:s2], $0x1  }
0x95: {  	_ =	swait.eq [sflag:s6], $0x1  }
0x96: {  	s16 =	sld [smem:$0x10];
	[sflag:s6] =	ssyncset.done $0x0  }
0x97: {  	s17 =	sld [smem:$0x11];
	[sflag:s6] =	ssyncadd.s32 $0xFFFFFFFF  }
0x98: {  	s18 =	sld [smem:$0x12];
	(tm) =	ssettm $0x1  }
0x99: {  	s8 =	sld [smem:$0x3FFB];
	_ =	sdelay $0x3  }
0x9a: {  	_ =	strace s8  }
0x9b: {  	s8 =	sld [smem:$0x3FFC];
	_ =	sdelay $0x3  }
0x9c: {  	_ =	strace s8  }
0x9d: {  	s8 =	sld [smem:$0x3FFD];
	_ =	sdelay $0x3  }
0x9e: {  	_ =	strace s8  }
0x9f: {  	_ =	strace $0x8FFFFFFF  }
0xa0: {  	s19 =	sld [smem:$0x3FDB];
	_ =	sdelay $0x1  }
0xa1: {  	s9 =	simm.s32 $_scs_section_size  }
0xa2: {  	s10 =	simm.s32 $_size__tile_overlayer_lowered;
	s11 =	simm.s32 $_tile_overlayer_lowered  }
0xa3: {  	s22 =	simm.s32 $0x1BFF;
	s21 =	sshll.u32 s11, $0x1;
	s8 =	sadd.s32 s9, s19  }
0xa4: {  	s12 =	simm.s32 $0x0;
	s20 =	sshll.u32 s10, $0x1;
	s10 =	sadd.s32 s21, s8  }
0xa5: {  	[timem:s12], [sflag:s22] =	dma.local [hbm:s10], s20  }
0xa6: {  	_ =	swait.ge [sflag:s22], s20  }
0xa7: {  	s9 =	ssub.s32 $0x0, s20;
	[sflag:s22] =	ssyncset.done $0x0  }
0xa8: {  	[sflag:s22] =	ssyncadd.s32 s9;
	_ =	sdelay $0x1  }
0xa9: {  	s23 =	simm.s32 $0x1B8B  }
0xaa: {  	_ =	swait.ge [sflag:s23], $0x1  }
0xab: {  	[sflag:s23] =	ssyncset.done $0x0  }
0xac: {  	s25 =	simm.s32 $0x1B8E;
	s24 =	sld [smem:$0x3FFE];
	[sflag:s23] =	ssyncadd.s32 $0xFFFFFFFF  }
0xad: {  	s26 =	simm.s32 $execute0_lowered;
	[smem:$0x3FD2] =	sst s25  }
0xae: {  	s10 =	sshll.u32 s26, $0x1;
	_ =	strace $0x80000046;
	[dreg:$0x1] =	wrdreg $0xFFFFFFFF  }
0xaf: {  	s28 =	simm.s32 $_size_execute0_lowered;
	s8 =	sadd.s32 s8, s10;
	[dreg:$0x0] =	wrdreg $0x0  }
0xb0: {  	s10 =	sshll.u32 s28, $0x1;
	[dreg:$0x2] =	wrdreg s8  }
0xb1: {  	[dreg:$0x3] =	wrdreg s10  }
0xb2: {  	[dreg:$0x4] =	wrdreg $0xC0  }
0xb3: {  	_ =	task [dreg:s12], $0x5FFFF  }
0xb4: {  	[dreg:$0x1] =	wrdreg $0xFFFFFFFF  }
0xb5: {  	[dreg:$0x0] =	wrdreg $0x60  }
0xb6: {  	[dreg:$0x2] =	wrdreg s15  }
0xb7: {  	[dreg:$0x3] =	wrdreg s4  }
0xb8: {  	[dreg:$0x4] =	wrdreg s24  }
0xb9: {  	[dreg:$0x5] =	wrdreg s5  }
0xba: {  	[dreg:$0x6] =	wrdreg s16  }
0xbb: {  	[dreg:$0x7] =	wrdreg s17  }
0xbc: {  	[dreg:$0x8] =	wrdreg s18  }
0xbd: {  	[dreg:$0x9] =	wrdreg $0x9  }
0xbe: {  	_ =	task.clear_ibuf [dreg:s12], $0xAFFFF;
	_ =	strace $0x90000046  }
0xbf: {  	s29 =	simm.s32 $0x9;
	_ =	strace $0x80000048  }
0xc0: {  	_ =	swait.ge [sflag:s29], $0x1  }
0xc1: {  	[sflag:s29] =	ssyncadd.s32 $0xFFFFFFFF  }
0xc2: {  	_ =	strace $0x90000048  }
0xc3: {  	_ =	sfence  }
0xc4: {  	s30 =	sld [smem:$0x0];
	_ =	sdelay $0x2  }
0xc5: {  	s31 =	sshll.u32 s1, $0xD;
	s1 =	sshrl.u32 s1, $0x2  }
0xc6: {  	s3 =	sand.u32 $0x4000, s31;
	s1 =	sadd.s32 s1, s30  }
0xc7: {  	s0 =	sor.u32 s3, s0;
	s1 =	sshll.u32 s1, $0x11  }
0xc8: {  	s0 =	sor.u32 s1, s0  }
0xc9: {  	s0 =	sadd.s32 $0x8F2B, s0  }
0xca: {  	[sflag:s0] =	ssyncadd.remote.s32 $0x1  }
0xcb: {  	_ =	sfence.sel $0xFFFF  }
0xcc: {  	[dreg:$0x0] =	wrdreg $0xFFFFFFFF;
	(pc) =	sbr.abs _section_cstart, $3  }
0xcd: {  	[dreg:$0x1] =	wrdreg $0xFFFFFFFF  }
0xce: {  	_ =	task.clear_ibuf [dreg:s12], $0x2FFFF;
	_ =	strace $0x9FFFFFFF  }
0xcf: {  	(tm) =	ssettm $0x7FFFFFFF  }
tec
execute0_lowered:
.L_overlay_start_1:
0x0: {  	(tag) =	ssettag $0x1  }
0x1: {  	s0 =	rddreg [dreg:$0x0]  }
0x2: {  	s2 =	rddreg [dreg:$0x1]  }
0x3: {  	s4 =	rddreg [dreg:$0x2]  }
0x4: {  	s1 =	rddreg [dreg:$0x3]  }
0x5: {  	s7 =	rddreg [dreg:$0x4]  }
0x6: {  	s8 =	rddreg [dreg:$0x5]  }
0x7: {  	s9 =	rddreg [dreg:$0x6];
	s3 =	srdreg.scid  }
0x8: {  	s6 =	stileid.u32;
	s13 =	simm.s32 $0x80;
	s21 =	simm.s32 $0x400  }
0x9: {  	s22 =	simm.s32 $0x4400;
	s23 =	simm.s32 $0x1;
	s24 =	simm.s32 $0x1000  }
0xa: {  	s25 =	simm.s32 $0x20000;
	s28 =	simm.s32 $0x10400;
	s29 =	simm.s32 $0x18800  }
0xb: {  	s30 =	simm.s32 $0x0;
	s5 =	sand.u32 $0x1, s3;
	s3 =	simm.s32 $0x0  }
0xc: {  	s6 =	sshll.u32 s6, $0xA;
	s4 =	sadd.s32 $0xF42C00, s4;
	s10 =	sshll.u32 s5, $0x9  }
0xd: {  	[smem:$0x7FF] =	sst s3;
	s5 =	ssub.s32 $0x2, s5;
	s10 =	sor.u32 s10, s6  }
0xe: {  	_ =	strace $0x80000047;
	s31 =	sshrl.u32 s5, $0x1;
	s11 =	sshrl.u32 s10, $0x3  }
0xf: {  	s12 =	ssub.s32 s5, s31;
	s7 =	sadd.s32 s7, s10;
	s8 =	sadd.s32 s8, s10  }
0x10: {  	v0 =	vlaneseq.u32;
	s5 =	sadd.s32 s0, s11;
	s6 =	sadd.s32 s2, s11;
	s9 =	sadd.s32 s9, s11  }
0x11: {  	v0 =	vmul.u32 $0x80, v0;
	s10 =	smax.u32 s12, $0x1;
	s11 =	simm.s32 $0x2;
	s12 =	simm.s32 $0x200  }
.LBB2_1:
0x12: {  	[tilespmem:s3], [sflag:$0x2] =	stream.linear.gather [hbm4b:s5+s3], $0x200, $0x38;
	[tilespmem:$0x18A00] =	vst v63  }
0x13: {  	_ =	swait.ge [sflag:s11], $0x200  }
0x14: {  	[sflag:s11] =	ssyncset.done $0x0  }
0x15: {  	[sflag:s11] =	ssyncadd.s32 $0xFFFFFE00  }
0x16: {  	[tilespmem:s12], [sflag:$0x2] =	stream.linear.gather [hbm4b:s6+s3], $0x200, $0x38;
	[tilespmem:$0x18A00] =	vst v63  }
0x17: {  	_ =	swait.ge [sflag:s11], $0x200  }
0x18: {  	[sflag:s11] =	ssyncset.done $0x0  }
0x19: {  	s0 =	simm.s32 $0x18400;
	[sflag:s11] =	ssyncadd.s32 $0xFFFFFE00  }
0x1a: {  	[tilespmem:s0], [sflag:$0x1] =	stream.indirect.gather [hbm4b:s1+s13], $0x1, s12, s13, $0xb8;
	[tilespmem:$0x18A00] =	vst v63  }
0x1b: {  	s17 =	simm.s32 $0x280;
	s2 =	simm.s32 $0x18480  }
0x1c: {  	[tilespmem:s2], [sflag:$0x1] =	stream.indirect.gather [hbm4b:s1+s13], $0x1, s17, s13, $0xb8;
	[tilespmem:$0x18A00] =	vst v63  }
0x1d: {  	s18 =	simm.s32 $0x300;
	s19 =	simm.s32 $0x18500  }
0x1e: {  	[tilespmem:s19], [sflag:$0x1] =	stream.indirect.gather [hbm4b:s1+s13], $0x1, s18, s13, $0xb8;
	[tilespmem:$0x18A00] =	vst v63  }
0x1f: {  	s20 =	simm.s32 $0x380;
	s26 =	simm.s32 $0x18580;
	s31 =	simm.s32 $0x0  }
0x20: {  	[tilespmem:s26], [sflag:$0x1] =	stream.indirect.gather [hbm4b:s1+s13], $0x1, s20, s13, $0xb8;
	[tilespmem:$0x18A00] =	vst v63  }
.LBB2_2:
0x21: {  	s0 =	sshll.u32 s31, $0x7  }
0x22: {  	[tilespmem:s21], [sflag:$0x1] =	stream.indirect.gather [hbm4b:s4+s13], $0x80, s0, s13, $0xb8;
	[tilespmem:$0x18A00] =	vst v63  }
0x23: {  	s2 =	sadd.s32 $0x200, s0  }
0x24: {  	[tilespmem:s22], [sflag:$0x1] =	stream.indirect.gather [hbm4b:s4+s13], $0x80, s2, s13, $0xb8;
	[tilespmem:$0x18A00] =	vst v63  }
0x25: {  	_ =	swait.ge [sflag:s23], $0x4000  }
0x26: {  	[sflag:s23] =	ssyncset.done $0x0  }
0x27: {  	[sflag:s23] =	ssyncadd.s32 $0xFFFFC000  }
0x28: {  	s0 =	sand.u32 $0x3FFFFF80, s0;
	_ =	swait.ge [sflag:s23], $0x4000  }
0x29: {  	s14 =	sadd.s32 $0x18600, s0;
	s0 =	sshll.u32 s31, $0xA;
	[sflag:s23] =	ssyncset.done $0x0  }
0x2a: {  	s2 =	simm.s32 $0x0;
	v1 =	vmov s14;
	s14 =	simm.s32 $0x0;
	[sflag:s23] =	ssyncadd.s32 $0xFFFFC000  }
.LBB2_3:
0x2b: {  	s15 =	sshll.u32 s14, $0x4;
	v3 =	vmov s2  }
0x2c: {  	v2 =	vmov s15;
	v3 =	vand.u32 $0x7F, v3  }
0x2d: {  	v4 =	vshll.u32 v2, $0x7;
	v3 =	vbroadcast v3, $0x0  }
0x2e: {  	v4 =	vor.u32 v0, v4  }
0x2f: {  	v5 =	vor.u32 v4, v3;
	_ =	sdelay $0x1  }
0x30: {  	s16 =	simm.s32 $0x1  }
0x31: {  	v6 =	vmov s16  }
0x32: {  	v6 =	vand.u32 $0x7F, v6  }
0x33: {  	v7 =	vbroadcast v6, $0x0;
	v3 =	vld.idx.msk [tilespmem:v5+s21+$0x0], $0xffff  }
0x34: {  	v6 =	vld.idx.msk [tilespmem:v5+s22+$0x0], $0xffff  }
0x35: {  	s26 =	sand.u32 $0x7000, s2;
	v7 =	vor.u32 v4, v7  }
0x36: {  	s17 =	sand.u32 $0x380, s2;
	s16 =	sadd.s32 s0, s26  }
0x37: {  	s18 =	simm.s32 $0x2;
	s20 =	sor.u32 s17, s16  }
0x38: {  	s19 =	simm.s32 $0x3;
	s17 =	simm.s32 $0x0;
	s16 =	simm.s32 $0x0;
	v5 =	vimm.f32 $0.0e+00;
	[tilespmem:v2+s20+$0x8400 ss:$0x1] =	vst.idx.msk $0xffff, v3  }
.LBB2_4:
0x39: {  	p0 =	sne.s32 s19, $0x3F;
	v8 =	vmov s18;
	[tilespmem:v2+s20+$0x10400 ss:$0x1] =	vst.idx.msk $0xffff, v6;
	v9 =	vmul.f32 v6, v3;
	s18 =	smov.u32 s19  }
0x3a: {  	v6 =	vand.u32 $0x7F, v8;
	v3 =	vld.idx.msk [tilespmem:v7+s21+$0x0], $0xffff  }
0x3b: {  	v8 =	vbroadcast v6, $0x0;
	v6 =	vld.idx.msk [tilespmem:v7+s22+$0x0], $0xffff;
	v5 =	vadd.f32 v9, v5  }
.Ltmp0:
0x3c: {  	s17 =	sadd.s32 $0x200, s17;
	(pc) =	sbr.rel @p0 .LBB2_4-.Ltmp0, $4  }
0x3d: {  	s16 =	sadd.s32 $0x80, s16;
	s20 =	sand.u32 $0x7000, s17;
	v7 =	vor.u32 v4, v8  }
0x3e: {  	s26 =	sand.u32 $0x380, s16;
	s20 =	sadd.s32 s0, s20  }
0x3f: {  	s20 =	sor.u32 s26, s20  }
0x40: {  	s19 =	sadd.s32 $0x1, s19;
	[tilespmem:v2+s20+$0x8400 ss:$0x1] =	vst.idx.msk $0xffff, v3  }
0x41: {  	_ =	sdelay $0x2  }
0x42: {  	v8 =	vmov s18  }
0x43: {  	[tilespmem:v2+s20+$0x10400 ss:$0x1] =	vst.idx.msk $0xffff, v6;
	v8 =	vand.u32 $0x7F, v8  }
0x44: {  	v9 =	vld.idx.msk [tilespmem:v7+s21+$0x0], $0xffff;
	v8 =	vbroadcast v8, $0x0  }
0x45: {  	s17 =	sadd.s32 $0x200, s17;
	v61 =	vld.idx.msk [tilespmem:v7+s22+$0x0], $0xffff  }
0x46: {  	s16 =	sadd.s32 $0x80, s16;
	s26 =	sand.u32 $0x7000, s17;
	v4 =	vor.u32 v4, v8  }
0x47: {  	s19 =	sand.u32 $0x380, s16;
	s18 =	sadd.s32 s0, s26  }
0x48: {  	s18 =	sor.u32 s19, s18  }
0x49: {  	[tilespmem:v2+s18+$0x8400 ss:$0x1] =	vst.idx.msk $0xffff, v9  }
0x4a: {  	[tilespmem:v2+s18+$0x10400 ss:$0x1] =	vst.idx.msk $0xffff, v61  }
0x4b: {  	v8 =	vld.idx.msk [tilespmem:v4+s21+$0x0], $0xffff  }
0x4c: {  	v4 =	vld.idx.msk [tilespmem:v4+s22+$0x0], $0xffff  }
0x4d: {  	v3 =	vmul.f32 v6, v3;
	_ =	sdelay $0x1  }
0x4e: {  	s14 =	sadd.s32 $0x1, s14;
	s17 =	sadd.s32 $0x200, s17;
	v3 =	vadd.f32 v3, v5;
	v62 =	vmul.f32 v61, v9  }
0x4f: {  	s16 =	sadd.s32 $0x80, s16;
	p0 =	sne.s32 s14, $0x8;
	s17 =	sand.u32 $0x7000, s17  }
.Ltmp1:
0x50: {  	s16 =	sand.u32 $0x380, s16;
	s17 =	sadd.s32 s0, s17;
	v3 =	vadd.f32 v62, v3;
	v63 =	vmul.f32 v4, v8;
	(pc) =	sbr.rel @p0 .LBB2_3-.Ltmp1, $4  }
0x51: {  	s16 =	sor.u32 s16, s17  }
0x52: {  	[tilespmem:v2+s16+$0x8400 ss:$0x1] =	vst.idx.msk $0xffff, v8;
	v3 =	vadd.f32 v63, v3  }
0x53: {  	[tilespmem:v2+s16+$0x10400 ss:$0x1] =	vst.idx.msk $0xffff, v4  }
0x54: {  	[tilespmem:v1+s15+$0x0 ss:$0x1] =	vst.idx.msk $0xffff, v3  }
0x55: {  	s31 =	sadd.s32 $0x1, s31  }
0x56: {  	p0 =	sne.s32 s31, $0x4  }
.Ltmp2:
0x57: {  	_ = 	snop;
	(pc) =	sbr.rel @p0 .LBB2_2-.Ltmp2, $1  }
0x58: {  	_ =	sdelay $0x3  }
0x59: {  	_ =	swait.ge [sflag:s23], $0x80  }
0x5a: {  	[sflag:s23] =	ssyncset.done $0x0  }
0x5b: {  	[sflag:s23] =	ssyncadd.s32 $0xFFFFFF80  }
0x5c: {  	_ =	swait.ge [sflag:s23], $0x80  }
0x5d: {  	[sflag:s23] =	ssyncset.done $0x0  }
0x5e: {  	[sflag:s23] =	ssyncadd.s32 $0xFFFFFF80  }
0x5f: {  	_ =	swait.ge [sflag:s23], $0x80  }
0x60: {  	[sflag:s23] =	ssyncset.done $0x0  }
0x61: {  	[sflag:s23] =	ssyncadd.s32 $0xFFFFFF80  }
0x62: {  	_ =	swait.ge [sflag:s23], $0x80  }
0x63: {  	[sflag:s23] =	ssyncset.done $0x0  }
0x64: {  	s31 =	simm.s32 $0x0;
	[sflag:s23] =	ssyncadd.s32 $0xFFFFFF80  }
0x65: {  	v1 =	vld [tilespmem:s31+$0x18600]  }
0x66: {  	v2 =	vld [tilespmem:s31+$0x18400];
	_ =	sdelay $0x3  }
0x67: {  	s2 =	simm.s32 $0x10  }
0x68: {  	v3 =	vld [tilespmem:s2+$0x18400];
	v1 =	vadd.f32 v2, v1  }
0x69: {  	v2 =	vld [tilespmem:s2+$0x18600]  }
0x6a: {  	v1 =	vsub.f32 $0.0e+00, v1;
	_ =	sdelay $0x1  }
0x6b: {  	s0 =	simm.s32 $0x20;
	v1 =	vmul.f32 $1.442695020e+00, v1  }
0x6c: {  	v4 =	vld [tilespmem:s0+$0x18600]  }
0x6d: {  	v2 =	vadd.f32 v3, v2;
	(erf) = vpow2.f32 v1;
	v1 =	vld [tilespmem:s0+$0x18400];
	_ =	sdelay $0x1  }
0x6e: {  	v2 =	vsub.f32 $0.0e+00, v2;
	_ =	sdelay $0x1  }
0x6f: {  	s14 =	simm.s32 $0x30;
	v2 =	vmul.f32 $1.442695020e+00, v2  }
0x70: {  	v3 =	vld [tilespmem:s14+$0x18600];
	v1 =	vadd.f32 v1, v4  }
0x71: {  	(erf) = vpow2.f32 v2;
	v2 =	vld [tilespmem:s14+$0x18400]  }
0x72: {  	v1 =	vsub.f32 $0.0e+00, v1;
	_ =	sdelay $0x1  }
0x73: {  	s15 =	simm.s32 $0x40;
	v4 =	vpop (erf);
	v1 =	vmul.f32 $1.442695020e+00, v1  }
0x74: {  	v5 =	vld [tilespmem:s15+$0x18600];
	v4 =	vadd.f32 $1.000000000e+00, v4  }
0x75: {  	v2 =	vadd.f32 v2, v3;
	(erf) = vpow2.f32 v1;
	v1 =	vld [tilespmem:s15+$0x18400]  }
0x76: {  	(erf) = vrcp.f32 v4  }
0x77: {  	v2 =	vsub.f32 $0.0e+00, v2;
	_ =	sdelay $0x1  }
0x78: {  	v3 =	vpop (erf);
	v2 =	vmul.f32 $1.442695020e+00, v2  }
0x79: {  	s16 =	simm.s32 $0x50;
	v3 =	vadd.f32 $1.000000000e+00, v3;
	v1 =	vadd.f32 v1, v5  }
0x7a: {  	(erf) = vpow2.f32 v2;
	v2 =	vld [tilespmem:s16+$0x18400]  }
0x7b: {  	(erf) = vrcp.f32 v3;
	v5 =	vsub.f32 $0.0e+00, v1;
	v1 =	vld [tilespmem:s16+$0x18600];
	_ =	sdelay $0x1  }
0x7c: {  	v4 =	vpop (erf)  }
0x7d: {  	s17 =	simm.s32 $0x180;
	v5 =	vmul.f32 $1.442695020e+00, v5;
	v3 =	vpop (erf)  }
.LBB2_8:
0x7e: {  	s18 =	sshra.s32 s17, $0x2;
	v4 =	vadd.f32 $1.000000000e+00, v4;
	v3 =	vmax.f32 v3, $9.999999740e-06;
	p0 =	sne.s32 s17, $0x7C0  }
.Ltmp3:
0x7f: {  	v6 =	vadd.f32 v2, v1;
	v1 =	vld [tilespmem:s18+$0x18600];
	(erf) = vpow2.f32 v5;
	v3 =	vmin.f32 v3, $1.000000000e+00;
	(pc) =	sbr.rel @p0 .LBB2_8-.Ltmp3, $4  }
0x80: {  	s17 =	sadd.s32 $0x40, s17;
	v2 =	vld [tilespmem:s18+$0x18400];
	(erf) = vrcp.f32 v4;
	[tilespmem:s31+$0x18800] =	vst v3;
	s31 =	smov.u32 s2  }
0x81: {  	s2 =	smov.u32 s0;
	s0 =	smov.u32 s14;
	s14 =	smov.u32 s15;
	v6 =	vsub.f32 $0.0e+00, v6  }
0x82: {  	s15 =	smov.u32 s16;
	s16 =	smov.u32 s18;
	v4 =	vpop (erf)  }
0x83: {  	v5 =	vmul.f32 $1.442695020e+00, v6;
	v3 =	vpop (erf)  }
0x84: {  	_ = 	snop  }
0x85: {  	v1 =	vadd.f32 v2, v1;
	_ =	sdelay $0x1  }
0x86: {  	v1 =	vsub.f32 $0.0e+00, v1  }
0x87: {  	v2 =	vadd.f32 $1.000000000e+00, v4  }
0x88: {  	(erf) = vpow2.f32 v5;
	v1 =	vmul.f32 $1.442695020e+00, v1  }
0x89: {  	(erf) = vrcp.f32 v2  }
0x8a: {  	(erf) = vpow2.f32 v1;
	_ =	sdelay $0x4  }
0x8b: {  	v1 =	vpop (erf)  }
0x8c: {  	v2 =	vpop (erf)  }
0x8d: {  	v62 =	vpop (erf)  }
0x8e: {  	v1 =	vadd.f32 $1.000000000e+00, v1;
	v63 =	vpop (erf)  }
0x8f: {  	v4 =	vadd.f32 $1.000000000e+00, v62;
	v6 =	vpop (erf)  }
0x90: {  	(erf) = vrcp.f32 v1;
	v1 =	vadd.f32 $1.000000000e+00, v6  }
0x91: {  	(erf) = vrcp.f32 v4  }
0x92: {  	(erf) = vrcp.f32 v1;
	_ =	sdelay $0x4  }
0x93: {  	v1 =	vmax.f32 v3, $9.999999740e-06  }
0x94: {  	v2 =	vmax.f32 v2, $9.999999740e-06;
	v1 =	vmin.f32 v1, $1.000000000e+00  }
0x95: {  	[tilespmem:s31+$0x18800] =	vst v1;
	v1 =	vmin.f32 v2, $1.000000000e+00;
	v2 =	vmax.f32 v63, $9.999999740e-06;
	v3 =	vpop (erf)  }
0x96: {  	[tilespmem:s2+$0x18800] =	vst v1;
	v1 =	vmin.f32 v2, $1.000000000e+00;
	v2 =	vmax.f32 v3, $9.999999740e-06;
	v3 =	vpop (erf)  }
0x97: {  	[tilespmem:s0+$0x18800] =	vst v1;
	v1 =	vmin.f32 v2, $1.000000000e+00;
	v2 =	vmax.f32 v3, $9.999999740e-06;
	v3 =	vpop (erf)  }
0x98: {  	[tilespmem:s14+$0x18800] =	vst v1;
	v1 =	vmin.f32 v2, $1.000000000e+00;
	v2 =	vmax.f32 v3, $9.999999740e-06  }
0x99: {  	[tilespmem:s15+$0x18800] =	vst v1;
	v1 =	vmin.f32 v2, $1.000000000e+00  }
0x9a: {  	s31 =	simm.s32 $0x8400;
	[tilespmem:s16+$0x18800] =	vst v1  }
0x9b: {  	[hbm4b:s7+s24] =	stream.strided.scatter [tilespmem:s31], [sflag:$0x2], $0x8000, s25, s24, $0x38;
	[tilespmem:$0x18A00] =	vst v63  }
0x9c: {  	_ =	swait.ge [sflag:s11], $0x8000  }
0x9d: {  	[sflag:s11] =	ssyncset.done $0x0  }
0x9e: {  	[sflag:s11] =	ssyncadd.s32 $0xFFFF8000  }
0x9f: {  	[hbm4b:s8+s24] =	stream.strided.scatter [tilespmem:s28], [sflag:$0x2], $0x8000, s25, s24, $0x38;
	[tilespmem:$0x18A00] =	vst v63  }
0xa0: {  	s30 =	sadd.s32 $0x1, s30;
	_ =	swait.ge [sflag:s11], $0x8000  }
0xa1: {  	p0 =	sne.s32 s30, s10;
	[sflag:s11] =	ssyncset.done $0x0  }
.Ltmp4:
0xa2: {  	[sflag:s11] =	ssyncadd.s32 $0xFFFF8000;
	(pc) =	sbr.rel @p0 .LBB2_1-.Ltmp4, $4  }
0xa3: {  	[hbm4b:s9+s3] =	stream.linear.scatter [tilespmem:s29], [sflag:$0x2], $0x200, $0x38;
	[tilespmem:$0x18A00] =	vst v63  }
0xa4: {  	_ =	swait.ge [sflag:s11], $0x200  }
0xa5: {  	[sflag:s11] =	ssyncset.done $0x0  }
0xa6: {  	[sflag:s11] =	ssyncadd.s32 $0xFFFFFE00  }
0xa7: {  	_ =	sfence.sel $0x180000  }
0xa8: {  	[bflag:$0x0] =	sbarrier.arrive $0xFFFF  }
0xa9: {  	_ =	strace $0x90000047  }
0xaa: {  	s0 =	stileid.u32;
	[bflag:$0x2] =	sbarrier.arrive $0xFFFF  }
0xab: {  	p0 =	sne.s32 s0, $0x0;
	s0 =	rddreg [dreg:$0x7]  }
0xac: {  	s0 =	sadd.s32 @!p0 $0x100000, s0  }
0xad: {  	[sflag:s0] =	ssyncadd.tile.s32 @!p0 $0x1;
	_ =	shalt  }
.Lfunc_end2:
_tile_overlayer_lowered:
.L_overlay_start_2:
0xae: {  	(tag) =	ssettag $0x2  }
0xaf: {  	s0 =	rddreg [dreg:$0x0];
	s2 =	stileid.u32  }
0xb0: {  	s1 =	rddreg [dreg:$0x1];
	p0 =	sne.s32 s2, $0x0  }
0xb1: {  	s3 =	rddreg [dreg:$0x2];
	[bflag:$0x3] =	sbarrier.arrive $0xFFFF;
	s2 =	simm.s32 @!p0 $0x1C02  }
0xb2: {  	[timem:s3], [sflag:s2] =	dma.local @!p0 [hbm:s0], s1  }
0xb3: {  	s0 =	simm.s32 @!p0 $0x2  }
0xb4: {  	_ =	swait.ge @!p0 [sflag:s0], s1  }
0xb5: {  	s1 =	ssub.s32 @!p0 $0x0, s1;
	[sflag:s0] =	ssyncset.done @!p0 $0x0  }
0xb6: {  	[sflag:s0] =	ssyncadd.s32 @!p0 s1  }
0xb7: {  	[bflag:$0x3] =	sbarrier.arrive $0xFFFF  }
0xb8: {  	_ =	shalt  }

</sc_bundles>
